<compile_context>
chip_gen: v7x
topology: tpu7x:2x2x1
jax: 0.10.2.dev20260603
libtpu: 0.0.44.dev20260713+nightly
codegen_flags: <defaults>
</compile_context>

<pallas_src>
import jax
import jax.numpy as jnp
from jax import lax
from jax.experimental import pallas as pl
from jax.experimental.pallas import tpu as pltpu
from jax.experimental.pallas import tpu_sc as plsc

_BATCH = 16384
_FIELDS = 26
_L = 16

_NW = 32
_ROWS_W = _BATCH // _NW
_IDX_W = _ROWS_W * _FIELDS
_CHUNK = 128
_NCHUNK = _IDX_W // _CHUNK
_NVREG = _ROWS_W // _L

_VOCAB = 1000000
_VOCAB_PAD = 1024000


def _body(xt, table, bias16, out, idx_v, vals_v, bias_v, acc_v, sem):
    wid = lax.axis_index("s") * 2 + lax.axis_index("c")
    base = wid * _ROWS_W

    pltpu.sync_copy(xt.at[:, pl.ds(base, _ROWS_W)], idx_v)
    pltpu.sync_copy(bias16, bias_v)

    def fire(f, _):
        for c in range(4):
            pltpu.async_copy(
                table.at[idx_v.at[f, pl.ds(c * _CHUNK, _CHUNK)]],
                vals_v.at[pl.ds(f * _ROWS_W + c * _CHUNK, _CHUNK)],
                sem.at[f],
            )
        return None

    lax.fori_loop(0, _FIELDS, fire, None)

    bias_vec = bias_v[...]

    def init_vregs(i, _):
        acc_v[pl.ds(i * _L, _L)] = bias_vec
        return None

    lax.fori_loop(0, _NVREG, init_vregs, None)

    def accum_field(f, _):
        pltpu.make_async_copy(
            out.at[pl.ds(0, _ROWS_W)],
            vals_v.at[pl.ds(f * _ROWS_W, _ROWS_W)],
            sem.at[f],
        ).wait()

        def accum_vreg(i, _):
            o = i * _L
            acc_v[pl.ds(o, _L)] = (
                acc_v[pl.ds(o, _L)] + vals_v[pl.ds(f * _ROWS_W + o, _L)]
            )
            return None

        lax.fori_loop(0, _NVREG, accum_vreg, None)
        return None

    lax.fori_loop(0, _FIELDS, accum_field, None)

    pltpu.sync_copy(acc_v, out.at[pl.ds(base, _ROWS_W)])


@jax.jit
def _lr_embed_sum(xt, table_flat, bias16):
    mesh = plsc.VectorSubcoreMesh(core_axis_name="c", subcore_axis_name="s")
    run = pl.kernel(
        _body,
        out_type=jax.ShapeDtypeStruct((_BATCH,), jnp.float32),
        mesh=mesh,
        scratch_types=[
            pltpu.VMEM((_FIELDS, _ROWS_W), jnp.int32),
            pltpu.VMEM((_IDX_W,), jnp.float32),
            pltpu.VMEM((_L,), jnp.float32),
            pltpu.VMEM((_ROWS_W,), jnp.float32),
            pltpu.SemaphoreType.DMA((_FIELDS,)),
        ],
    )
    return run(xt, table_flat, bias16)


def kernel(X, table, bias):
    xt = X.astype(jnp.int32).T
    table_flat = jnp.pad(table.T, ((0, 0), (0, _VOCAB_PAD - _VOCAB))).reshape(
        _VOCAB_PAD
    )
    bias16 = jnp.broadcast_to(bias.astype(jnp.float32), (_L,))
    out = _lr_embed_sum(xt, table_flat, bias16)
    return out.reshape(_BATCH, 1)

# --- scband reference (transcript-rebuilt; emitter-appended) ---
"""Pipeline reference for scband-logistic-regression-55370718380120 (READ-ONLY COPY).

The authoritative reference and input builder live on the scoring server;
editing this copy changes nothing except your own understanding.
"""

import jax, jax.numpy as jnp
import numpy as np

BATCH = 16384
NUM_FIELDS = 26
VOCAB = 1000000

def setup_inputs(seed: int = 0) -> dict:
    key = jax.random.key(seed)
    k1, k2 = jax.random.split(key)
    X = jax.random.randint(k1, (BATCH, NUM_FIELDS), 0, VOCAB, dtype=jnp.int64) if jax.config.read('jax_enable_x64') else jax.random.randint(k1, (BATCH, NUM_FIELDS), 0, VOCAB, dtype=jnp.int32)
    # lr embedding table: one scalar weight per vocab entry (embedding_dim=1)
    table = (jax.random.normal(k2, (VOCAB, 1), dtype=jnp.float32) * 0.01)
    bias = jnp.zeros((1,), dtype=jnp.float32)
    return {"X": X, "table": table, "bias": bias}

def reference(X, table, bias):
    # FeatureEmbedding lookup with embedding_dim=1 -> [B, F, 1]
    embed_weights = jnp.take(table, X, axis=0)
    # tf.reduce_sum over axis=1 (the field axis) -> [B, 1]
    output = jnp.sum(embed_weights, axis=1)
    # add scalar bias
    output = output + bias
    return output

if __name__ == "__main__":
    import jax
    _d = setup_inputs()
    print(jax.jit(kernel)(*tuple(_d.values())))

</pallas_src>

<mosaic_0001>
#map = affine_map<(d0, d1) -> (0, 0)>
#map1 = affine_map<(d0, d1) -> (0)>
module attributes {stable_mosaic.version = 14 : i64} {
  func.func @_body(%arg0: i32, %arg1: i32, %arg2: memref<26x16384xi32, #tpu.memory_space<hbm>>, %arg3: memref<1024000xf32, #tpu.memory_space<hbm>>, %arg4: memref<16xf32, #tpu.memory_space<hbm>>, %arg5: memref<16384xf32, #tpu.memory_space<hbm>>, %arg6: memref<26x512xi32, #tpu.memory_space<vmem>>, %arg7: memref<13312xf32, #tpu.memory_space<vmem>>, %arg8: memref<16xf32, #tpu.memory_space<vmem>>, %arg9: memref<512xf32, #tpu.memory_space<vmem>>, %arg10: memref<26x!tpu.dma_semaphore, #tpu.memory_space<semaphore_mem>>) attributes {dimension_semantics = [#tpu.dimension_semantics<core_parallel>, #tpu.dimension_semantics<subcore_parallel>], iteration_bounds = array<i64: 2, 16>, scalar_prefetch = 0 : i64, scratch_operands = 5 : i64, tpu.core_type = #tpu.core_type<sc_vector_subcore>, window_params = [{transform_indices = #map}, {transform_indices = #map1}, {transform_indices = #map1}, {transform_indices = #map1}]} {
    %mul3A = arith.constant 2 : i32
    %mul3A_0 = arith.muli %arg1, %mul3A : i32
    %add3A = arith.addi %mul3A_0, %arg0 : i32
    %mul3A_1 = arith.constant 512 : i32
    %mul3A_2 = arith.muli %add3A, %mul3A_1 : i32
    "tpu.region"() ({
      %run_scoped3A = tpu.sem_alloc : memref<!tpu.dma_semaphore, #tpu.memory_space<semaphore_mem>>
      %dma_start3A = arith.constant 0 : i32
      %dma_start3A_19 = tpu.memref_slice %arg2[%dma_start3A, %mul3A_2] : memref<26x16384xi32, #tpu.memory_space<hbm>> -> memref<26x512xi32, #tpu.memory_space<hbm>>
      %dma_start3A_20 = arith.constant 0 : i32
      %dma_start3A_21 = tpu.memref_slice %arg2[%dma_start3A_20, %mul3A_2] : memref<26x16384xi32, #tpu.memory_space<hbm>> -> memref<26x512xi32, #tpu.memory_space<hbm>>
      tpu.enqueue_dma source(%dma_start3A_21 : memref<26x512xi32, #tpu.memory_space<hbm>>) target(%arg6 : memref<26x512xi32, #tpu.memory_space<vmem>>) target_semaphore(%run_scoped3A : memref<!tpu.dma_semaphore, #tpu.memory_space<semaphore_mem>>)
      %dma_wait3A = arith.constant 0 : i32
      %dma_wait3A_22 = tpu.memref_slice %arg2[%dma_wait3A, %mul3A_2] : memref<26x16384xi32, #tpu.memory_space<hbm>> -> memref<26x512xi32, #tpu.memory_space<hbm>>
      %dma_wait3A_23 = arith.constant 0 : i32
      %dma_wait3A_24 = tpu.memref_slice %arg2[%dma_wait3A_23, %mul3A_2] : memref<26x16384xi32, #tpu.memory_space<hbm>> -> memref<26x512xi32, #tpu.memory_space<hbm>>
      tpu.wait_dma2 semaphore(%run_scoped3A : memref<!tpu.dma_semaphore, #tpu.memory_space<semaphore_mem>>) src(%dma_wait3A_24 : memref<26x512xi32, #tpu.memory_space<hbm>>) dst(%arg6 : memref<26x512xi32, #tpu.memory_space<vmem>>)
      tpu.yield
    }) : () -> ()
    "tpu.region"() ({
      %run_scoped3A = tpu.sem_alloc : memref<!tpu.dma_semaphore, #tpu.memory_space<semaphore_mem>>
      tpu.enqueue_dma source(%arg4 : memref<16xf32, #tpu.memory_space<hbm>>) target(%arg8 : memref<16xf32, #tpu.memory_space<vmem>>) target_semaphore(%run_scoped3A : memref<!tpu.dma_semaphore, #tpu.memory_space<semaphore_mem>>)
      tpu.wait_dma2 semaphore(%run_scoped3A : memref<!tpu.dma_semaphore, #tpu.memory_space<semaphore_mem>>) src(%arg4 : memref<16xf32, #tpu.memory_space<hbm>>) dst(%arg8 : memref<16xf32, #tpu.memory_space<vmem>>)
      tpu.yield
    }) : () -> ()
    %scan3A = arith.constant 0 : i32
    %scan3A_3 = arith.constant 26 : i32
    %scan3A_4 = arith.addi %scan3A, %scan3A_3 : i32
    %scan3A_5 = arith.constant 1 : i32
    scf.for %scan3A_19 = %scan3A to %scan3A_4 step %scan3A_5  : i32 {
      %mul3A_20 = arith.constant 512 : i32
      %mul3A_21 = arith.muli %scan3A_19, %mul3A_20 : i32
      %add3A_22 = arith.constant 0 : i32
      %add3A_23 = arith.addi %mul3A_21, %add3A_22 : i32
      %dma_start3A = tpu.memref_slice %arg7[%add3A_23] : memref<13312xf32, #tpu.memory_space<vmem>> -> memref<128xf32, #tpu.memory_space<vmem>>
      %dma_start3A_24 = arith.constant 0 : i32
      %dma_start3A_25 = tpu.memref_slice %arg6[%scan3A_19, %dma_start3A_24] : memref<26x512xi32, #tpu.memory_space<vmem>> -> memref<1x128xi32, #tpu.memory_space<vmem>>
      %dma_start3A_26 = tpu.memref_squeeze %dma_start3A_25 : memref<1x128xi32, #tpu.memory_space<vmem>> -> memref<128xi32, #tpu.memory_space<vmem>>
      %dma_start3A_27 = arith.constant 0 : i32
      %dma_start3A_28 = tpu.memref_slice %arg3[%dma_start3A_27] : memref<1024000xf32, #tpu.memory_space<hbm>> -> memref<1024000xf32, #tpu.memory_space<hbm>>
      %dma_start3A_29 = tpu.memref_slice %arg10[%scan3A_19] : memref<26x!tpu.dma_semaphore, #tpu.memory_space<semaphore_mem>> -> memref<1x!tpu.dma_semaphore, #tpu.memory_space<semaphore_mem>>
      %dma_start3A_30 = tpu.memref_squeeze %dma_start3A_29 : memref<1x!tpu.dma_semaphore, #tpu.memory_space<semaphore_mem>> -> memref<!tpu.dma_semaphore, #tpu.memory_space<semaphore_mem>>
      tpu.enqueue_indirect_dma source(%dma_start3A_28 : memref<1024000xf32, #tpu.memory_space<hbm>>) target(%dma_start3A : memref<128xf32, #tpu.memory_space<vmem>>) offsets(%dma_start3A_26 : memref<128xi32, #tpu.memory_space<vmem>>) semaphore(%dma_start3A_30 : memref<!tpu.dma_semaphore, #tpu.memory_space<semaphore_mem>>)
      %mul3A_31 = arith.constant 512 : i32
      %mul3A_32 = arith.muli %scan3A_19, %mul3A_31 : i32
      %add3A_33 = arith.constant 128 : i32
      %add3A_34 = arith.addi %mul3A_32, %add3A_33 : i32
      %dma_start3A_35 = tpu.memref_slice %arg7[%add3A_34] : memref<13312xf32, #tpu.memory_space<vmem>> -> memref<128xf32, #tpu.memory_space<vmem>>
      %dma_start3A_36 = arith.constant 128 : i32
      %dma_start3A_37 = tpu.memref_slice %arg6[%scan3A_19, %dma_start3A_36] : memref<26x512xi32, #tpu.memory_space<vmem>> -> memref<1x128xi32, #tpu.memory_space<vmem>>
      %dma_start3A_38 = tpu.memref_squeeze %dma_start3A_37 : memref<1x128xi32, #tpu.memory_space<vmem>> -> memref<128xi32, #tpu.memory_space<vmem>>
      %dma_start3A_39 = arith.constant 0 : i32
      %dma_start3A_40 = tpu.memref_slice %arg3[%dma_start3A_39] : memref<1024000xf32, #tpu.memory_space<hbm>> -> memref<1024000xf32, #tpu.memory_space<hbm>>
      %dma_start3A_41 = tpu.memref_slice %arg10[%scan3A_19] : memref<26x!tpu.dma_semaphore, #tpu.memory_space<semaphore_mem>> -> memref<1x!tpu.dma_semaphore, #tpu.memory_space<semaphore_mem>>
      %dma_start3A_42 = tpu.memref_squeeze %dma_start3A_41 : memref<1x!tpu.dma_semaphore, #tpu.memory_space<semaphore_mem>> -> memref<!tpu.dma_semaphore, #tpu.memory_space<semaphore_mem>>
      tpu.enqueue_indirect_dma source(%dma_start3A_40 : memref<1024000xf32, #tpu.memory_space<hbm>>) target(%dma_start3A_35 : memref<128xf32, #tpu.memory_space<vmem>>) offsets(%dma_start3A_38 : memref<128xi32, #tpu.memory_space<vmem>>) semaphore(%dma_start3A_42 : memref<!tpu.dma_semaphore, #tpu.memory_space<semaphore_mem>>)
      %mul3A_43 = arith.constant 512 : i32
      %mul3A_44 = arith.muli %scan3A_19, %mul3A_43 : i32
      %add3A_45 = arith.constant 256 : i32
      %add3A_46 = arith.addi %mul3A_44, %add3A_45 : i32
      %dma_start3A_47 = tpu.memref_slice %arg7[%add3A_46] : memref<13312xf32, #tpu.memory_space<vmem>> -> memref<128xf32, #tpu.memory_space<vmem>>
      %dma_start3A_48 = arith.constant 256 : i32
      %dma_start3A_49 = tpu.memref_slice %arg6[%scan3A_19, %dma_start3A_48] : memref<26x512xi32, #tpu.memory_space<vmem>> -> memref<1x128xi32, #tpu.memory_space<vmem>>
      %dma_start3A_50 = tpu.memref_squeeze %dma_start3A_49 : memref<1x128xi32, #tpu.memory_space<vmem>> -> memref<128xi32, #tpu.memory_space<vmem>>
      %dma_start3A_51 = arith.constant 0 : i32
      %dma_start3A_52 = tpu.memref_slice %arg3[%dma_start3A_51] : memref<1024000xf32, #tpu.memory_space<hbm>> -> memref<1024000xf32, #tpu.memory_space<hbm>>
      %dma_start3A_53 = tpu.memref_slice %arg10[%scan3A_19] : memref<26x!tpu.dma_semaphore, #tpu.memory_space<semaphore_mem>> -> memref<1x!tpu.dma_semaphore, #tpu.memory_space<semaphore_mem>>
      %dma_start3A_54 = tpu.memref_squeeze %dma_start3A_53 : memref<1x!tpu.dma_semaphore, #tpu.memory_space<semaphore_mem>> -> memref<!tpu.dma_semaphore, #tpu.memory_space<semaphore_mem>>
      tpu.enqueue_indirect_dma source(%dma_start3A_52 : memref<1024000xf32, #tpu.memory_space<hbm>>) target(%dma_start3A_47 : memref<128xf32, #tpu.memory_space<vmem>>) offsets(%dma_start3A_50 : memref<128xi32, #tpu.memory_space<vmem>>) semaphore(%dma_start3A_54 : memref<!tpu.dma_semaphore, #tpu.memory_space<semaphore_mem>>)
      %mul3A_55 = arith.constant 512 : i32
      %mul3A_56 = arith.muli %scan3A_19, %mul3A_55 : i32
      %add3A_57 = arith.constant 384 : i32
      %add3A_58 = arith.addi %mul3A_56, %add3A_57 : i32
      %dma_start3A_59 = tpu.memref_slice %arg7[%add3A_58] : memref<13312xf32, #tpu.memory_space<vmem>> -> memref<128xf32, #tpu.memory_space<vmem>>
      %dma_start3A_60 = arith.constant 384 : i32
      %dma_start3A_61 = tpu.memref_slice %arg6[%scan3A_19, %dma_start3A_60] : memref<26x512xi32, #tpu.memory_space<vmem>> -> memref<1x128xi32, #tpu.memory_space<vmem>>
      %dma_start3A_62 = tpu.memref_squeeze %dma_start3A_61 : memref<1x128xi32, #tpu.memory_space<vmem>> -> memref<128xi32, #tpu.memory_space<vmem>>
      %dma_start3A_63 = arith.constant 0 : i32
      %dma_start3A_64 = tpu.memref_slice %arg3[%dma_start3A_63] : memref<1024000xf32, #tpu.memory_space<hbm>> -> memref<1024000xf32, #tpu.memory_space<hbm>>
      %dma_start3A_65 = tpu.memref_slice %arg10[%scan3A_19] : memref<26x!tpu.dma_semaphore, #tpu.memory_space<semaphore_mem>> -> memref<1x!tpu.dma_semaphore, #tpu.memory_space<semaphore_mem>>
      %dma_start3A_66 = tpu.memref_squeeze %dma_start3A_65 : memref<1x!tpu.dma_semaphore, #tpu.memory_space<semaphore_mem>> -> memref<!tpu.dma_semaphore, #tpu.memory_space<semaphore_mem>>
      tpu.enqueue_indirect_dma source(%dma_start3A_64 : memref<1024000xf32, #tpu.memory_space<hbm>>) target(%dma_start3A_59 : memref<128xf32, #tpu.memory_space<vmem>>) offsets(%dma_start3A_62 : memref<128xi32, #tpu.memory_space<vmem>>) semaphore(%dma_start3A_66 : memref<!tpu.dma_semaphore, #tpu.memory_space<semaphore_mem>>)
    }
    %scan3A_6 = arith.constant 26 : i32
    %get3A = arith.constant 0 : index
    %get3A_7 = tpu.vector_load %arg8[%get3A] {strides = array<i32>} : memref<16xf32, #tpu.memory_space<vmem>>, vector<16xf32>,
    %get3A_8 = vector.shape_cast %get3A_7 : vector<16xf32> to vector<16xf32>
    %scan3A_9 = arith.constant 0 : i32
    %scan3A_10 = arith.constant 32 : i32
    %scan3A_11 = arith.addi %scan3A_9, %scan3A_10 : i32
    %scan3A_12 = arith.constant 1 : i32
    scf.for %scan3A_19 = %scan3A_9 to %scan3A_11 step %scan3A_12  : i32 {
      %mul3A_20 = arith.constant 16 : i32
      %mul3A_21 = arith.muli %scan3A_19, %mul3A_20 : i32
      %swap3A = arith.index_cast %mul3A_21 : i32 to index
      %swap3A_22 = tpu.vector_load %arg9[%swap3A] {strides = array<i32>} : memref<512xf32, #tpu.memory_space<vmem>>, vector<16xf32>,
      %swap3A_23 = vector.shape_cast %swap3A_22 : vector<16xf32> to vector<16xf32>
      %swap3A_24 = vector.shape_cast %get3A_8 : vector<16xf32> to vector<16xf32>
      tpu.vector_store %arg9[%swap3A], %swap3A_24 {strides = array<i32>} : memref<512xf32, #tpu.memory_space<vmem>>, vector<16xf32>,
    }
    %scan3A_13 = arith.constant 32 : i32
    %scan3A_14 = arith.constant 0 : i32
    %scan3A_15 = arith.constant 26 : i32
    %scan3A_16 = arith.addi %scan3A_14, %scan3A_15 : i32
    %scan3A_17 = arith.constant 1 : i32
    scf.for %scan3A_19 = %scan3A_14 to %scan3A_16 step %scan3A_17  : i32 {
      %mul3A_20 = arith.constant 512 : i32
      %mul3A_21 = arith.muli %scan3A_19, %mul3A_20 : i32
      %dma_wait3A = tpu.memref_slice %arg7[%mul3A_21] : memref<13312xf32, #tpu.memory_space<vmem>> -> memref<512xf32, #tpu.memory_space<vmem>>
      %dma_wait3A_22 = arith.constant 0 : i32
      %dma_wait3A_23 = tpu.memref_slice %arg5[%dma_wait3A_22] : memref<16384xf32, #tpu.memory_space<hbm>> -> memref<512xf32, #tpu.memory_space<hbm>>
      %dma_wait3A_24 = tpu.memref_slice %arg10[%scan3A_19] : memref<26x!tpu.dma_semaphore, #tpu.memory_space<semaphore_mem>> -> memref<1x!tpu.dma_semaphore, #tpu.memory_space<semaphore_mem>>
      %dma_wait3A_25 = tpu.memref_squeeze %dma_wait3A_24 : memref<1x!tpu.dma_semaphore, #tpu.memory_space<semaphore_mem>> -> memref<!tpu.dma_semaphore, #tpu.memory_space<semaphore_mem>>
      %dma_wait3A_26 = tpu.memref_slice %arg7[%mul3A_21] : memref<13312xf32, #tpu.memory_space<vmem>> -> memref<512xf32, #tpu.memory_space<vmem>>
      %dma_wait3A_27 = arith.constant 0 : i32
      %dma_wait3A_28 = tpu.memref_slice %arg5[%dma_wait3A_27] : memref<16384xf32, #tpu.memory_space<hbm>> -> memref<512xf32, #tpu.memory_space<hbm>>
      tpu.wait_dma2 semaphore(%dma_wait3A_25 : memref<!tpu.dma_semaphore, #tpu.memory_space<semaphore_mem>>) src(%dma_wait3A_28 : memref<512xf32, #tpu.memory_space<hbm>>) dst(%dma_wait3A_26 : memref<512xf32, #tpu.memory_space<vmem>>)
      %scan3A_29 = arith.constant 0 : i32
      %scan3A_30 = arith.constant 32 : i32
      %scan3A_31 = arith.addi %scan3A_29, %scan3A_30 : i32
      %scan3A_32 = arith.constant 1 : i32
      scf.for %scan3A_34 = %scan3A_29 to %scan3A_31 step %scan3A_32  : i32 {
        %mul3A_35 = arith.constant 16 : i32
        %mul3A_36 = arith.muli %scan3A_34, %mul3A_35 : i32
        %get3A_37 = arith.index_cast %mul3A_36 : i32 to index
        %get3A_38 = tpu.vector_load %arg9[%get3A_37] {strides = array<i32>} : memref<512xf32, #tpu.memory_space<vmem>>, vector<16xf32>,
        %get3A_39 = vector.shape_cast %get3A_38 : vector<16xf32> to vector<16xf32>
        %mul3A_40 = arith.constant 512 : i32
        %mul3A_41 = arith.muli %scan3A_19, %mul3A_40 : i32
        %add3A_42 = arith.addi %mul3A_41, %mul3A_36 : i32
        %get3A_43 = arith.index_cast %add3A_42 : i32 to index
        %get3A_44 = tpu.vector_load %arg7[%get3A_43] {strides = array<i32>} : memref<13312xf32, #tpu.memory_space<vmem>>, vector<16xf32>,
        %get3A_45 = vector.shape_cast %get3A_44 : vector<16xf32> to vector<16xf32>
        %add3A_46 = arith.addf %get3A_39, %get3A_45 : vector<16xf32>
        %swap3A = arith.index_cast %mul3A_36 : i32 to index
        %swap3A_47 = tpu.vector_load %arg9[%swap3A] {strides = array<i32>} : memref<512xf32, #tpu.memory_space<vmem>>, vector<16xf32>,
        %swap3A_48 = vector.shape_cast %swap3A_47 : vector<16xf32> to vector<16xf32>
        %swap3A_49 = vector.shape_cast %add3A_46 : vector<16xf32> to vector<16xf32>
        tpu.vector_store %arg9[%swap3A], %swap3A_49 {strides = array<i32>} : memref<512xf32, #tpu.memory_space<vmem>>, vector<16xf32>,
      }
      %scan3A_33 = arith.constant 32 : i32
    }
    %scan3A_18 = arith.constant 26 : i32
    "tpu.region"() ({
      %run_scoped3A = tpu.sem_alloc : memref<!tpu.dma_semaphore, #tpu.memory_space<semaphore_mem>>
      %dma_start3A = tpu.memref_slice %arg5[%mul3A_2] : memref<16384xf32, #tpu.memory_space<hbm>> -> memref<512xf32, #tpu.memory_space<hbm>>
      %dma_start3A_19 = tpu.memref_slice %arg5[%mul3A_2] : memref<16384xf32, #tpu.memory_space<hbm>> -> memref<512xf32, #tpu.memory_space<hbm>>
      tpu.enqueue_dma source(%arg9 : memref<512xf32, #tpu.memory_space<vmem>>) target(%dma_start3A_19 : memref<512xf32, #tpu.memory_space<hbm>>) target_semaphore(%run_scoped3A : memref<!tpu.dma_semaphore, #tpu.memory_space<semaphore_mem>>)
      %dma_wait3A = tpu.memref_slice %arg5[%mul3A_2] : memref<16384xf32, #tpu.memory_space<hbm>> -> memref<512xf32, #tpu.memory_space<hbm>>
      %dma_wait3A_20 = tpu.memref_slice %arg5[%mul3A_2] : memref<16384xf32, #tpu.memory_space<hbm>> -> memref<512xf32, #tpu.memory_space<hbm>>
      tpu.wait_dma2 semaphore(%run_scoped3A : memref<!tpu.dma_semaphore, #tpu.memory_space<semaphore_mem>>) src(%arg9 : memref<512xf32, #tpu.memory_space<vmem>>) dst(%dma_wait3A_20 : memref<512xf32, #tpu.memory_space<hbm>>)
      tpu.yield
    }) : () -> ()
    return
  }
}

</mosaic_0001>

<sc_bundles>
// kernel: _lr_embed_sum.3.cloned.1.call-start
scs
__scs_entry_jumppad:
0x0: {  	(pc) =	sbr.rel $0x88, $3  }
0x1: {  	(tag) =	ssettag $0x0;
	lr =	simm.s32 $0x1  }
0x2: {  	[smem:$0x3F9E] =	sst lr;
	_ =	strace $0xD0000000  }
0x3: {  	_ = 	snop  }
0x4: {  	_ = 	snop  }
0x5: {  	_ = 	snop  }
0x6: {  	_ = 	snop  }
0x7: {  	_ = 	snop  }
__scs_overlays_trampoline_lowered:
0x8: {  	[smem:$0x3FAD] =	sst s0  }
0x9: {  	[smem:$0x3FAE] =	sst s1  }
0xa: {  	[smem:$0x3FAF] =	sst s2  }
0xb: {  	[smem:$0x3FB0] =	sst s3  }
0xc: {  	[smem:$0x3FB1] =	sst s4  }
0xd: {  	[smem:$0x3FB2] =	sst s5  }
0xe: {  	[smem:$0x3FB3] =	sst s6  }
0xf: {  	[smem:$0x3FB4] =	sst s7  }
0x10: {  	[smem:$0x3FB5] =	sst s8  }
0x11: {  	[smem:$0x3FB6] =	sst s9;
	s0 =	simm.s32 @!p0 $0x0  }
0x12: {  	s1 =	sld [smem:$0x3F9C];
	s0 =	simm.s32 @p0 $0x1  }
0x13: {  	[smem:$0x3FB7] =	sst s0;
	s0 =	simm.s32 @!p1 $0x0  }
0x14: {  	s2 =	sld [smem:$0x3F9B];
	s0 =	simm.s32 @p1 $0x1  }
0x15: {  	[smem:$0x3FB8] =	sst s0;
	s0 =	simm.s32 @!p2 $0x0  }
0x16: {  	s3 =	sld [smem:$0x3FDB];
	s0 =	simm.s32 @p2 $0x1  }
0x17: {  	s4 =	simm.s32 $0x1BF5;
	[smem:$0x3FBA] =	sst s0  }
0x18: {  	s0 =	sld [smem:$0x3F9D];
	_ =	swait.ge [sflag:s4], $0x0  }
0x19: {  	s7 =	sld [smem:$0x3F9E]  }
0x1a: {  	s8 =	sadd.s32 $0xFFFFE003, lr  }
0x1b: {  	s9 =	sadd.s32 $0xFFFFFEF7, lr;
	s5 =	simm.s32 $0xFFFFFFFF;
	p2 =	slt.u32 s8, $0xFFFFF086  }
0x1c: {  	p1 =	slt.u32 s9, $0xF7A;
	s5 =	simm.s32 @!p2 $0x0  }
0x1d: {  	s5 =	simm.s32 @p1 $0x1;
	p0 =	seq.s32 s7, s2  }
0x1e: {  	s7 =	smul.u32 @!p0 $0xF7A, s2;
	p2 =	seq.s32 @!p0 s5, $0x0  }
0x1f: {  	s9 =	smul.u32 $0xF7A, s1;
	s8 =	simm.s32 @!p0 $0x1BF5;
	p2 =	por !p2, p0  }
0x20: {  	[sflag:s8] =	ssyncset.s32 @!p0 $0xFFFFF086;
	s6 =	sadd.s32 @!p0 s3, s7;
	s7 =	simm.s32 @!p0 $0x108  }
0x21: {  	s3 =	sadd.s32 s3, s9;
	s6 =	sadd.s32 @!p0 $0x88, s6;
	s7 =	simm.s32 @p2 $0x1082  }
0x22: {  	[simem:s7], [sflag:s8] =	dma.local @!p0 [hbm:s6], $0xF7A  }
0x23: {  	s9 =	sor.u32 $0xD0000000, s2;
	s6 =	simm.s32 $0x108;
	_ =	swait.ge @!p0 [sflag:s8], $0x0  }
0x24: {  	s3 =	sadd.s32 $0x88, s3;
	s6 =	simm.s32 @!p1 $0x1082;
	[sflag:s4] =	ssyncset.s32 $0xFFFFF086  }
0x25: {  	[simem:s6], [sflag:s4] =	dma.local [hbm:s3], $0xF7A  }
0x26: {  	[smem:$0x3F9E] =	sst s1;
	(tag) =	ssettag s2;
	_ =	strace s9  }
0x27: {  	s1 =	sld [smem:$0x3FAE]  }
0x28: {  	s2 =	sld [smem:$0x3FAF]  }
0x29: {  	s4 =	sld [smem:$0x3FB1]  }
0x2a: {  	p0 =	seq.s32 s5, $0x0;
	s5 =	sld [smem:$0x3FB2]  }
0x2b: {  	s6 =	sld [smem:$0x3FB3]  }
0x2c: {  	s7 =	sld [smem:$0x3FB4]  }
0x2d: {  	s3 =	simm.s32 $0x108;
	s8 =	sld [smem:$0x3FB5]  }
0x2e: {  	s3 =	simm.s32 @!p0 $0x1082;
	s9 =	sld [smem:$0x3FB6]  }
0x2f: {  	lr =	sadd.s32 s0, s3;
	s0 =	sld [smem:$0x3FAD]  }
0x30: {  	s3 =	sld [smem:$0x3FB0]  }
0x31: {  	[smem:$0x3FB9] =	sst s10  }
0x32: {  	s10 =	sld [smem:$0x3FB7];
	_ =	sdelay $0x3  }
0x33: {  	p0 =	seq.s32 s10, $0x1;
	s10 =	sld [smem:$0x3FB9];
	_ =	sdelay $0x3  }
0x34: {  	[smem:$0x3FB9] =	sst s10  }
0x35: {  	s10 =	sld [smem:$0x3FB8];
	_ =	sdelay $0x3  }
0x36: {  	p1 =	seq.s32 s10, $0x1;
	s10 =	sld [smem:$0x3FB9];
	_ =	sdelay $0x3  }
0x37: {  	[smem:$0x3FB9] =	sst s10  }
0x38: {  	s10 =	sld [smem:$0x3FBA]  }
0x39: {  	_ = 	snop;
	(pc) =	sbr.ind lr, $3  }
0x3a: {  	_ = 	snop  }
0x3b: {  	_ = 	snop  }
0x3c: {  	p2 =	seq.s32 s10, $0x1;
	s10 =	sld [smem:$0x3FB9]  }
0x3d: {  	_ =	shalt  }
0x3e: {  	_ =	shalt  }
0x3f: {  	_ =	shalt  }
0x40: {  	_ =	shalt  }
0x41: {  	_ =	shalt  }
0x42: {  	_ =	shalt  }
0x43: {  	_ =	shalt  }
0x44: {  	_ =	shalt  }
0x45: {  	_ =	shalt  }
0x46: {  	_ =	shalt  }
0x47: {  	_ =	shalt  }
0x48: {  	_ =	shalt  }
0x49: {  	_ =	shalt  }
0x4a: {  	_ =	shalt  }
0x4b: {  	_ =	shalt  }
0x4c: {  	_ =	shalt  }
0x4d: {  	_ =	shalt  }
0x4e: {  	_ =	shalt  }
0x4f: {  	_ =	shalt  }
0x50: {  	_ =	shalt  }
0x51: {  	_ =	shalt  }
0x52: {  	_ =	shalt  }
0x53: {  	_ =	shalt  }
0x54: {  	_ =	shalt  }
0x55: {  	_ =	shalt  }
0x56: {  	_ =	shalt  }
0x57: {  	_ =	shalt  }
0x58: {  	_ =	shalt  }
0x59: {  	_ =	shalt  }
0x5a: {  	_ =	shalt  }
0x5b: {  	_ =	shalt  }
0x5c: {  	_ =	shalt  }
0x5d: {  	_ =	shalt  }
0x5e: {  	_ =	shalt  }
0x5f: {  	_ =	shalt  }
0x60: {  	_ =	shalt  }
0x61: {  	_ =	shalt  }
0x62: {  	_ =	shalt  }
0x63: {  	_ =	shalt  }
0x64: {  	_ =	shalt  }
0x65: {  	_ =	shalt  }
0x66: {  	_ =	shalt  }
0x67: {  	_ =	shalt  }
0x68: {  	_ =	shalt  }
0x69: {  	_ =	shalt  }
0x6a: {  	_ =	shalt  }
0x6b: {  	_ =	shalt  }
0x6c: {  	_ =	shalt  }
0x6d: {  	_ =	shalt  }
0x6e: {  	_ =	shalt  }
0x6f: {  	_ =	shalt  }
0x70: {  	_ =	shalt  }
0x71: {  	_ =	shalt  }
0x72: {  	_ =	shalt  }
0x73: {  	_ =	shalt  }
0x74: {  	_ =	shalt  }
0x75: {  	_ =	shalt  }
0x76: {  	_ =	shalt  }
0x77: {  	_ =	shalt  }
0x78: {  	_ =	shalt  }
0x79: {  	_ =	shalt  }
0x7a: {  	_ =	shalt  }
0x7b: {  	_ =	shalt  }
0x7c: {  	_ =	shalt  }
0x7d: {  	_ =	shalt  }
0x7e: {  	_ =	shalt  }
0x7f: {  	_ =	shalt  }
0x80: {  	_ =	shalt  }
0x81: {  	_ =	shalt  }
0x82: {  	_ =	shalt  }
0x83: {  	_ =	shalt  }
0x84: {  	_ =	shalt  }
0x85: {  	_ =	shalt  }
0x86: {  	_ =	shalt  }
0x87: {  	_ =	shalt  }
.Lfunc_end0:
.L_simem_size_0:
called_computation_lowered:
.L_overlay_start_0:
0x88: {  	s2 =	sld [smem:$0x3FD9]  }
0x89: {  	s3 =	sld [smem:$0x3FFE];
	_ =	sdelay $0x1  }
0x8a: {  	s1 =	srdreg.scid  }
0x8b: {  	s0 =	sand.u32 $0x1, s1  }
0x8c: {  	s18 =	sshll.u32 s0, $0xA;
	s2 =	sadd.s32 s3, s2  }
0x8d: {  	s2 =	sadd.s32 s2, s18  }
0x8e: {  	[smem:$0x3FC5] =	sst s2  }
0x8f: {  	_ = 	snop  }
0x90: {  	s2 =	sld [smem:$0x3FC9]  }
0x91: {  	s19 =	sld [smem:$0x3FC8]  }
0x92: {  	s4 =	sld [smem:$0x3FC7]  }
0x93: {  	s5 =	sld [smem:$0x3FD0];
	(tm) =	ssettm $0x1  }
0x94: {  	s6 =	sld [smem:$0x3FFB];
	_ =	sdelay $0x3  }
0x95: {  	_ =	strace s6  }
0x96: {  	s6 =	sld [smem:$0x3FFC];
	_ =	sdelay $0x3  }
0x97: {  	_ =	strace s6  }
0x98: {  	s6 =	sld [smem:$0x3FFD];
	_ =	sdelay $0x3  }
0x99: {  	_ =	strace s6  }
0x9a: {  	_ =	strace $0x8FFFFFFF  }
0x9b: {  	s20 =	sld [smem:$0x3FDB];
	_ =	sdelay $0x1  }
0x9c: {  	s7 =	simm.s32 $_scs_section_size  }
0x9d: {  	s8 =	simm.s32 $_size__tile_overlayer_lowered;
	s9 =	simm.s32 $_tile_overlayer_lowered  }
0x9e: {  	s23 =	simm.s32 $0x1BFF;
	s22 =	sshll.u32 s9, $0x1;
	s6 =	sadd.s32 s7, s20  }
0x9f: {  	s10 =	simm.s32 $0x0;
	s21 =	sshll.u32 s8, $0x1;
	s8 =	sadd.s32 s22, s6  }
0xa0: {  	[timem:s10], [sflag:s23] =	dma.local [hbm:s8], s21  }
0xa1: {  	_ =	swait.ge [sflag:s23], s21  }
0xa2: {  	s7 =	ssub.s32 $0x0, s21;
	[sflag:s23] =	ssyncset.done $0x0  }
0xa3: {  	[sflag:s23] =	ssyncadd.s32 s7;
	_ =	sdelay $0x1  }
0xa4: {  	s24 =	simm.s32 $0x1B8B  }
0xa5: {  	_ =	swait.ge [sflag:s24], $0x1  }
0xa6: {  	[sflag:s24] =	ssyncset.done $0x0  }
0xa7: {  	s25 =	simm.s32 $0x1B8E;
	[sflag:s24] =	ssyncadd.s32 $0xFFFFFFFF  }
0xa8: {  	s26 =	simm.s32 $execute0_lowered;
	[smem:$0x3FD2] =	sst s25  }
0xa9: {  	s7 =	sshll.u32 s26, $0x1;
	_ =	strace $0x80000046;
	[dreg:$0x1] =	wrdreg $0xFFFFFFFF  }
0xaa: {  	s28 =	simm.s32 $_size_execute0_lowered;
	s6 =	sadd.s32 s6, s7;
	[dreg:$0x0] =	wrdreg $0x0  }
0xab: {  	s7 =	sshll.u32 s28, $0x1;
	[dreg:$0x2] =	wrdreg s6  }
0xac: {  	[dreg:$0x3] =	wrdreg s7  }
0xad: {  	[dreg:$0x4] =	wrdreg $0xC0  }
0xae: {  	_ =	task [dreg:s10], $0x5FFFF  }
0xaf: {  	[dreg:$0x1] =	wrdreg $0xFFFFFFFF  }
0xb0: {  	[dreg:$0x0] =	wrdreg $0x60  }
0xb1: {  	[dreg:$0x2] =	wrdreg s2  }
0xb2: {  	[dreg:$0x3] =	wrdreg s19  }
0xb3: {  	[dreg:$0x4] =	wrdreg s4  }
0xb4: {  	[dreg:$0x5] =	wrdreg s5  }
0xb5: {  	[dreg:$0x6] =	wrdreg $0x9  }
0xb6: {  	_ =	task.clear_ibuf [dreg:s10], $0x7FFFF;
	_ =	strace $0x90000046  }
0xb7: {  	s29 =	simm.s32 $0x9;
	_ =	strace $0x80000048  }
0xb8: {  	_ =	swait.ge [sflag:s29], $0x1  }
0xb9: {  	[sflag:s29] =	ssyncadd.s32 $0xFFFFFFFF  }
0xba: {  	_ =	strace $0x90000048  }
0xbb: {  	_ =	sfence  }
0xbc: {  	s30 =	sld [smem:$0x0];
	_ =	sdelay $0x2  }
0xbd: {  	s31 =	sshll.u32 s1, $0xD;
	s1 =	sshrl.u32 s1, $0x2  }
0xbe: {  	s3 =	sand.u32 $0x4000, s31;
	s1 =	sadd.s32 s1, s30  }
0xbf: {  	s0 =	sor.u32 s3, s0;
	s1 =	sshll.u32 s1, $0x11  }
0xc0: {  	s0 =	sor.u32 s1, s0  }
0xc1: {  	s0 =	sadd.s32 $0x8F2B, s0  }
0xc2: {  	[sflag:s0] =	ssyncadd.remote.s32 $0x1  }
0xc3: {  	_ =	sfence.sel $0xFFFF  }
0xc4: {  	[dreg:$0x0] =	wrdreg $0xFFFFFFFF;
	(pc) =	sbr.abs _section_cstart, $3  }
0xc5: {  	[dreg:$0x1] =	wrdreg $0xFFFFFFFF  }
0xc6: {  	_ =	task.clear_ibuf [dreg:s10], $0x2FFFF;
	_ =	strace $0x9FFFFFFF  }
0xc7: {  	(tm) =	ssettm $0x7FFFFFFF  }
tec
execute0_lowered:
.L_overlay_start_1:
0x0: {  	(tag) =	ssettag $0x1  }
0x1: {  	s5 =	rddreg [dreg:$0x0]  }
0x2: {  	s1 =	rddreg [dreg:$0x1]  }
0x3: {  	s2 =	rddreg [dreg:$0x2]  }
0x4: {  	s6 =	rddreg [dreg:$0x3]  }
0x5: {  	s0 =	rddreg [dreg:$0x4];
	s4 =	simm.s32 $0x0;
	s7 =	srdreg.scid  }
0x6: {  	s3 =	stileid.u32;
	s11 =	simm.s32 $0x7400;
	s12 =	simm.s32 $0x80  }
0x7: {  	s13 =	simm.s32 $0x7480;
	s14 =	simm.s32 $0x0;
	s7 =	sand.u32 $0x1, s7  }
0x8: {  	[smem:$0x7FF] =	sst s4;
	s9 =	sshll.u32 s3, $0xA;
	s8 =	ssub.s32 $0x2, s7  }
0x9: {  	s7 =	sshll.u32 s7, $0x9;
	_ =	strace $0x80000047;
	s10 =	sshrl.u32 s8, $0x1  }
0xa: {  	s7 =	sor.u32 s7, s9;
	s9 =	simm.s32 $0x20000;
	s8 =	ssub.s32 s8, s10  }
0xb: {  	s5 =	sadd.s32 s5, s7;
	s7 =	sshrl.u32 s7, $0x3;
	s10 =	simm.s32 $0x1B  }
0xc: {  	s6 =	sadd.s32 s6, s7;
	s7 =	smax.u32 s8, $0x1;
	s8 =	simm.s32 $0x1000  }
.LBB2_1:
0xd: {  	[tilespmem:s4], [sflag:$0x1B] =	stream.strided.gather [hbm4b:s5+s8], $0x4000, s9, s8, $0x38;
	[tilespmem:$0x7680] =	vst v63  }
0xe: {  	_ =	swait.ge [sflag:s10], $0x4000  }
0xf: {  	[sflag:s10] =	ssyncset.done $0x0  }
0x10: {  	s15 =	simm.s32 $0x1;
	[sflag:s10] =	ssyncadd.s32 $0xFFFFC000  }
0x11: {  	[tilespmem:s11], [sflag:$0x1B] =	stream.linear.gather [hbm4b:s2+s4], $0x80, $0x38;
	[tilespmem:$0x7680] =	vst v63  }
0x12: {  	s16 =	simm.s32 $0x0;
	s20 =	sand.u32 $0x3000, s4;
	_ =	swait.ge [sflag:s10], $0x80  }
0x13: {  	s21 =	sand.u32 $0x380, s4;
	s17 =	simm.s32 $0x800;
	[sflag:s10] =	ssyncset.done $0x0  }
0x14: {  	s18 =	simm.s32 $0x0;
	s19 =	simm.s32 $0x0;
	[sflag:s10] =	ssyncadd.s32 $0xFFFFFF80  }
.LBB2_2:
0x15: {  	p0 =	sne.s32 s17, $0xC800;
	s22 =	sadd.s32 $0x4000, s16;
	s20 =	sor.u32 s21, s20  }
0x16: {  	[tilespmem:s22], [sflag:s15] =	stream.indirect.gather [hbm4b:s1+s12], $0x1, s20, s12, $0xb8;
	[tilespmem:$0x7680] =	vst v63  }
0x17: {  	s21 =	sadd.s32 $0x4080, s16;
	s23 =	smov.u32 s15;
	s22 =	sor.u32 $0x400, s20  }
0x18: {  	[tilespmem:s21], [sflag:s15] =	stream.indirect.gather [hbm4b:s1+s12], $0x1, s22, s12, $0xb8;
	[tilespmem:$0x7680] =	vst v63  }
0x19: {  	s21 =	sadd.s32 $0x4100, s16;
	s22 =	sor.u32 $0x800, s20  }
0x1a: {  	[tilespmem:s21], [sflag:s15] =	stream.indirect.gather [hbm4b:s1+s12], $0x1, s22, s12, $0xb8;
	[tilespmem:$0x7680] =	vst v63  }
.Ltmp0:
0x1b: {  	_ = 	snop;
	(pc) =	sbr.rel @p0 .LBB2_2-.Ltmp0, $4  }
0x1c: {  	s16 =	sadd.s32 $0x4180, s16;
	s20 =	sor.u32 $0xC00, s20;
	s15 =	sadd.s32 $0x1, s15  }
0x1d: {  	[tilespmem:s16], [sflag:s23] =	stream.indirect.gather [hbm4b:s1+s12], $0x1, s20, s12, $0xb8;
	[tilespmem:$0x7680] =	vst v63  }
0x1e: {  	s18 =	sadd.s32 $0x80, s18;
	s19 =	sadd.s32 $0x200, s19;
	s16 =	sshra.s32 s17, $0x2  }
0x1f: {  	s21 =	sand.u32 $0x380, s18;
	s20 =	sand.u32 $0x3000, s19;
	s17 =	sadd.s32 $0x800, s17  }
0x20: {  	s17 =	sadd.s32 $0x4000, s16;
	s18 =	sor.u32 s21, s20  }
0x21: {  	[tilespmem:s17], [sflag:s15] =	stream.indirect.gather [hbm4b:s1+s12], $0x1, s18, s12, $0xb8;
	[tilespmem:$0x7680] =	vst v63  }
0x22: {  	s26 =	sadd.s32 $0x4080, s16;
	s19 =	sor.u32 $0x400, s18  }
0x23: {  	[tilespmem:s26], [sflag:s15] =	stream.indirect.gather [hbm4b:s1+s12], $0x1, s19, s12, $0xb8;
	[tilespmem:$0x7680] =	vst v63  }
0x24: {  	s28 =	sadd.s32 $0x4100, s16;
	s29 =	sor.u32 $0x800, s18  }
0x25: {  	[tilespmem:s28], [sflag:s15] =	stream.indirect.gather [hbm4b:s1+s12], $0x1, s29, s12, $0xb8;
	[tilespmem:$0x7680] =	vst v63  }
0x26: {  	s30 =	sadd.s32 $0x4180, s16;
	s31 =	sor.u32 $0xC00, s18  }
0x27: {  	[tilespmem:s30], [sflag:s15] =	stream.indirect.gather [hbm4b:s1+s12], $0x1, s31, s12, $0xb8;
	[tilespmem:$0x7680] =	vst v63  }
0x28: {  	v0 =	vld [tilespmem:$0x7400];
	_ =	sdelay $0x4  }
0x29: {  	[tilespmem:$0x7480] =	vst v0  }
0x2a: {  	[tilespmem:$0x7490] =	vst v0  }
0x2b: {  	[tilespmem:$0x74A0] =	vst v0  }
0x2c: {  	[tilespmem:$0x74B0] =	vst v0  }
0x2d: {  	[tilespmem:$0x74C0] =	vst v0  }
0x2e: {  	[tilespmem:$0x74D0] =	vst v0  }
0x2f: {  	[tilespmem:$0x74E0] =	vst v0  }
0x30: {  	[tilespmem:$0x74F0] =	vst v0  }
0x31: {  	[tilespmem:$0x7500] =	vst v0  }
0x32: {  	[tilespmem:$0x7510] =	vst v0  }
0x33: {  	[tilespmem:$0x7520] =	vst v0  }
0x34: {  	[tilespmem:$0x7530] =	vst v0  }
0x35: {  	[tilespmem:$0x7540] =	vst v0  }
0x36: {  	[tilespmem:$0x7550] =	vst v0  }
0x37: {  	[tilespmem:$0x7560] =	vst v0  }
0x38: {  	[tilespmem:$0x7570] =	vst v0  }
0x39: {  	[tilespmem:$0x7580] =	vst v0  }
0x3a: {  	[tilespmem:$0x7590] =	vst v0  }
0x3b: {  	[tilespmem:$0x75A0] =	vst v0  }
0x3c: {  	[tilespmem:$0x75B0] =	vst v0  }
0x3d: {  	[tilespmem:$0x75C0] =	vst v0  }
0x3e: {  	[tilespmem:$0x75D0] =	vst v0  }
0x3f: {  	[tilespmem:$0x75E0] =	vst v0  }
0x40: {  	[tilespmem:$0x75F0] =	vst v0  }
0x41: {  	[tilespmem:$0x7600] =	vst v0  }
0x42: {  	[tilespmem:$0x7610] =	vst v0  }
0x43: {  	[tilespmem:$0x7620] =	vst v0  }
0x44: {  	[tilespmem:$0x7630] =	vst v0  }
0x45: {  	[tilespmem:$0x7640] =	vst v0  }
0x46: {  	[tilespmem:$0x7650] =	vst v0  }
0x47: {  	[tilespmem:$0x7660] =	vst v0  }
0x48: {  	s16 =	simm.s32 $0x0;
	s15 =	simm.s32 $0x0;
	[tilespmem:$0x7670] =	vst v0  }
.LBB2_4:
0x49: {  	s17 =	sshll.u32 s16, $0x9  }
0x4a: {  	s16 =	sadd.s32 $0x1, s16;
	s17 =	sand.u32 $0x3FFFFE00, s17  }
0x4b: {  	s18 =	sand.u32 $0x180, s15;
	_ =	swait.ge [sflag:s16], $0x200;
	s17 =	sadd.s32 $0x4000, s17  }
0x4c: {  	s19 =	sand.u32 $0x70, s15;
	[sflag:s16] =	ssyncset.done $0x0;
	s18 =	sadd.s32 s18, s17  }
0x4d: {  	[sflag:s16] =	ssyncadd.s32 $0xFFFFFE00;
	s19 =	sadd.s32 s19, s18  }
0x4e: {  	s18 =	simm.s32 $0x7480;
	v0 =	vld [tilespmem:s19+$0x0]  }
0x4f: {  	v1 =	vld [tilespmem:s18+$0x0];
	_ =	sdelay $0x3  }
0x50: {  	s31 =	simm.s32 $0x10  }
0x51: {  	s21 =	sand.u32 $0x180, s31;
	v0 =	vadd.f32 v0, v1  }
0x52: {  	s20 =	sand.u32 $0x70, s31;
	s21 =	sadd.s32 s21, s17;
	s19 =	simm.s32 $0x20  }
.LBB2_5:
0x53: {  	p0 =	sne.s32 s19, $0x1F0;
	s20 =	sadd.s32 s20, s21;
	[tilespmem:s18+$0x0] =	vst v0  }
0x54: {  	s18 =	sadd.s32 $0x10, s18;
	v0 =	vld [tilespmem:s20+$0x0]  }
0x55: {  	v1 =	vld [tilespmem:s18+$0x0];
	_ =	sdelay $0x1  }
.Ltmp1:
0x56: {  	(pc) =	sbr.rel @p0 .LBB2_5-.Ltmp1, $3  }
0x57: {  	_ =	sdelay $0x1  }
0x58: {  	s21 =	sand.u32 $0x180, s19;
	v0 =	vadd.f32 v0, v1  }
0x59: {  	s20 =	sand.u32 $0x70, s19;
	s21 =	sadd.s32 s21, s17;
	s19 =	sadd.s32 $0x10, s19  }
0x5a: {  	s17 =	sadd.s32 s20, s21;
	[tilespmem:s18+$0x0] =	vst v0  }
0x5b: {  	s31 =	sadd.s32 $0x10, s18;
	v0 =	vld [tilespmem:s17+$0x0]  }
0x5c: {  	v1 =	vld [tilespmem:s31+$0x0];
	_ =	sdelay $0x1  }
0x5d: {  	p0 =	sne.s32 s16, $0x1A  }
.Ltmp2:
0x5e: {  	_ = 	snop;
	(pc) =	sbr.rel @p0 .LBB2_4-.Ltmp2, $3  }
0x5f: {  	_ = 	snop  }
0x60: {  	v0 =	vadd.f32 v0, v1;
	_ =	sdelay $0x1  }
0x61: {  	[tilespmem:s31+$0x0] =	vst v0  }
0x62: {  	s14 =	sadd.s32 $0x1, s14  }
0x63: {  	p0 =	sne.s32 s14, s7  }
.Ltmp3:
0x64: {  	_ = 	snop;
	(pc) =	sbr.rel @p0 .LBB2_1-.Ltmp3, $4  }
0x65: {  	[hbm4b:s6+s4] =	stream.linear.scatter [tilespmem:s13], [sflag:$0x1B], $0x200, $0x38;
	[tilespmem:$0x7680] =	vst v63  }
0x66: {  	_ =	swait.ge [sflag:s10], $0x200  }
0x67: {  	[sflag:s10] =	ssyncset.done $0x0  }
0x68: {  	[sflag:s10] =	ssyncadd.s32 $0xFFFFFE00  }
0x69: {  	_ =	sfence.sel $0x180000  }
0x6a: {  	[bflag:$0x0] =	sbarrier.arrive $0xFFFF  }
0x6b: {  	p0 =	sne.s32 s3, $0x0;
	_ =	strace $0x90000047  }
0x6c: {  	s0 =	sadd.s32 @!p0 $0x100000, s0;
	[bflag:$0x2] =	sbarrier.arrive $0xFFFF  }
0x6d: {  	[sflag:s0] =	ssyncadd.tile.s32 @!p0 $0x1;
	_ =	shalt  }
.Lfunc_end2:
_tile_overlayer_lowered:
.L_overlay_start_2:
0x6e: {  	(tag) =	ssettag $0x2  }
0x6f: {  	s0 =	rddreg [dreg:$0x0];
	s2 =	stileid.u32  }
0x70: {  	s1 =	rddreg [dreg:$0x1];
	p0 =	sne.s32 s2, $0x0  }
0x71: {  	s3 =	rddreg [dreg:$0x2];
	[bflag:$0x3] =	sbarrier.arrive $0xFFFF;
	s2 =	simm.s32 @!p0 $0x1C1B  }
0x72: {  	[timem:s3], [sflag:s2] =	dma.local @!p0 [hbm:s0], s1  }
0x73: {  	s0 =	simm.s32 @!p0 $0x1B  }
0x74: {  	_ =	swait.ge @!p0 [sflag:s0], s1  }
0x75: {  	s1 =	ssub.s32 @!p0 $0x0, s1;
	[sflag:s0] =	ssyncset.done @!p0 $0x0  }
0x76: {  	[sflag:s0] =	ssyncadd.s32 @!p0 s1  }
0x77: {  	[bflag:$0x3] =	sbarrier.arrive $0xFFFF  }
0x78: {  	_ =	shalt  }

</sc_bundles>
